<compile_context>
chip_gen: v7x
topology: tpu7x:2x2x1
jax: 0.10.2.dev20260603
libtpu: 0.0.44.dev20260713+nightly
codegen_flags: <defaults>
</compile_context>

<pallas_src>
import functools

import jax
import jax.numpy as jnp
import numpy as np
from jax import lax
from jax.experimental import pallas as pl
from jax.experimental.pallas import tpu as pltpu
from jax.experimental.pallas import tpu_sc as plsc

N_NODES = 10000
E_EDGES = 160000
MUL_IN = 32
MUL_OUT = 8
D_IN = 128
D_OUT = 32
NUM_RBF = 24
R_CUT = 10.0
HIDDEN = 64
BE = 4000

_SQRT3 = np.sqrt(3.0).astype(np.float32)
_ALPHA = np.float32(1.0 / np.sqrt(2 * MUL_IN))


def _edge_body(posr_ref, posc_ref, xg_ref, w1_ref, w2_ref, w3_ref, msg_ref):
    f32 = jnp.float32
    vec = posr_ref[...] - posc_ref[...]
    r2 = jnp.sum(vec * vec, axis=1, keepdims=True)
    r = jnp.sqrt(r2)
    n = vec * (1.0 / (r + 1e-9))
    y1_0 = _SQRT3 * n[:, 1:2]
    y1_1 = _SQRT3 * n[:, 2:3]
    y1_2 = _SQRT3 * n[:, 0:1]

    spacing = R_CUT / (NUM_RBF - 1)
    offs = lax.broadcasted_iota(jnp.int32, (1, NUM_RBF), 1).astype(f32) * spacing
    t = (r - offs) * (1.0 / spacing)
    phi = jnp.exp(-0.5 * t * t)

    h = phi @ w1_ref[...]
    h = h * jax.nn.sigmoid(h)
    h = h @ w2_ref[...]
    h = h * jax.nn.sigmoid(h)
    w = jnp.dot(h.astype(jnp.bfloat16), w3_ref[...],
                preferred_element_type=f32)

    xs = xg_ref[:, 0:32]
    xv0 = xg_ref[:, 32:64]
    xv1 = xg_ref[:, 64:96]
    xv2 = xg_ref[:, 96:128]
    s1 = (xv0 * y1_0 + xv1 * y1_1 + xv2 * y1_2) * (1.0 / _SQRT3)

    iu = lax.broadcasted_iota(jnp.int32, (MUL_IN, MUL_IN * MUL_OUT), 0)
    ij = lax.broadcasted_iota(jnp.int32, (MUL_IN, MUL_IN * MUL_OUT), 1)
    Q = (ij // MUL_OUT == iu).astype(f32)
    pj = lax.broadcasted_iota(jnp.int32, (MUL_IN * MUL_OUT, MUL_OUT), 0)
    pw = lax.broadcasted_iota(jnp.int32, (MUL_IN * MUL_OUT, MUL_OUT), 1)
    P8 = (pj % MUL_OUT == pw).astype(f32)

    s0r = xs @ Q
    s1r = s1 @ Q
    w0 = w[:, 0:256]
    w1p = w[:, 256:512]
    w2p = w[:, 512:768]
    w3p = w[:, 768:1024]

    out_s = (w0 * s0r + w3p * s1r) @ P8
    va = (w1p * s0r) @ P8
    vb0 = (w2p * (xv0 @ Q)) @ P8
    vb1 = (w2p * (xv1 @ Q)) @ P8
    vb2 = (w2p * (xv2 @ Q)) @ P8
    vk = jnp.concatenate(
        [va * y1_0 + vb0, va * y1_1 + vb1, va * y1_2 + vb2], axis=1
    )
    sk = lax.broadcasted_iota(jnp.int32, (24, 24), 0)
    sc = lax.broadcasted_iota(jnp.int32, (24, 24), 1)
    S = ((sc % 3) * 8 + sc // 3 == sk).astype(f32)
    msg_v = vk @ S
    msg_ref[...] = jnp.concatenate([out_s, msg_v], axis=1)


@functools.partial(jax.jit, static_argnames=())
def _edge_tc(posr, posc, xg, w1c, w2c, w3c):
    ne = posr.shape[0]
    grid = (ne // BE,)
    return pl.pallas_call(
        _edge_body,
        grid=grid,
        in_specs=[
            pl.BlockSpec((BE, 8), lambda i: (i, 0)),
            pl.BlockSpec((BE, 8), lambda i: (i, 0)),
            pl.BlockSpec((BE, D_IN), lambda i: (i, 0)),
            pl.BlockSpec((NUM_RBF, HIDDEN), lambda i: (0, 0)),
            pl.BlockSpec((HIDDEN, HIDDEN), lambda i: (0, 0)),
            pl.BlockSpec((HIDDEN, 4 * MUL_IN * MUL_OUT), lambda i: (0, 0)),
        ],
        out_specs=pl.BlockSpec((BE, D_OUT), lambda i: (i, 0)),
        out_shape=jax.ShapeDtypeStruct((ne, D_OUT), jnp.float32),
        compiler_params=pltpu.CompilerParams(
            dimension_semantics=("arbitrary",),
        ),
    )(posr, posc, xg, w1c, w2c, w3c)


def _act_body(p0_ref, p1_ref, out_ref):
    o = p0_ref[...] + p1_ref[...]
    s = o[:, :MUL_OUT]
    out_ref[...] = jnp.concatenate(
        [s * jax.nn.sigmoid(s), o[:, MUL_OUT:]], axis=1
    )


@jax.jit
def _act_tc(p0, p1):
    return pl.pallas_call(
        _act_body,
        out_shape=jax.ShapeDtypeStruct((N_NODES, D_OUT), jnp.float32),
    )(p0, p1)


CH = 128
NCH = E_EDGES // CH
CH3 = 320
_SUB = ((0, 128), (128, 128), (256, 64))
_SC_MESH = dict(core_axis_name="c", subcore_axis_name="s")
NW = 32


def _gather_body(nch, xT_hbm, row_hbm, xg_hbm, idx3_v, xbuf, semi, semx):
    c = lax.axis_index("c")
    s = lax.axis_index("s")
    wid = s * 2 + c
    n_my = (nch - wid + NW - 1) // NW

    def step(i, carry):
        base = (wid + NW * i) * CH3
        pltpu.async_copy(row_hbm.at[pl.ds(base, CH3)], idx3_v, semi).wait()
        cps = [
            pltpu.async_copy(xT_hbm.at[idx3_v.at[pl.ds(o, n)]],
                             xbuf.at[pl.ds(o, n)], semx)
            for o, n in _SUB
        ]
        for cp in cps:
            cp.wait()
        pltpu.sync_copy(xbuf, xg_hbm.at[pl.ds(base, CH3)])
        return carry

    lax.fori_loop(0, n_my, step, 0)


@jax.jit
def _sc_gather(xT, row):
    ne = row.shape[0]
    f = pl.kernel(
        functools.partial(_gather_body, ne // CH3),
        out_type=jax.ShapeDtypeStruct((ne, D_IN), jnp.float32),
        mesh=plsc.VectorSubcoreMesh(**_SC_MESH),
        scratch_types=[
            pltpu.VMEM((CH3,), jnp.int32),
            pltpu.VMEM((CH3, D_IN), jnp.float32),
            pltpu.SemaphoreType.DMA,
            pltpu.SemaphoreType.DMA,
        ],
    )
    return f(xT, row)


def _pos_body(nch, pos8_hbm, row_hbm, col_hbm, posr_hbm, posc_hbm,
              idxr_v, idxc_v, prbuf, pcbuf, semi, semr, semc):
    c = lax.axis_index("c")
    s = lax.axis_index("s")
    wid = s * 2 + c
    n_my = (nch - wid + NW - 1) // NW

    def step(i, carry):
        base = (wid + NW * i) * CH3
        cir = pltpu.async_copy(row_hbm.at[pl.ds(base, CH3)], idxr_v, semi)
        cic = pltpu.async_copy(col_hbm.at[pl.ds(base, CH3)], idxc_v, semi)
        cir.wait()
        cic.wait()
        cps = []
        for o, n in _SUB:
            cps.append(pltpu.async_copy(
                pos8_hbm.at[idxr_v.at[pl.ds(o, n)]],
                prbuf.at[pl.ds(o, n)], semr))
            cps.append(pltpu.async_copy(
                pos8_hbm.at[idxc_v.at[pl.ds(o, n)]],
                pcbuf.at[pl.ds(o, n)], semc))
        for cp in cps:
            cp.wait()
        pltpu.sync_copy(prbuf, posr_hbm.at[pl.ds(base, CH3)])
        pltpu.sync_copy(pcbuf, posc_hbm.at[pl.ds(base, CH3)])
        return carry

    lax.fori_loop(0, n_my, step, 0)


def _sc_pos(pos8, row, col):
    ne = row.shape[0]
    f = pl.kernel(
        functools.partial(_pos_body, ne // CH3),
        out_type=[
            jax.ShapeDtypeStruct((ne, 8), jnp.float32),
            jax.ShapeDtypeStruct((ne, 8), jnp.float32),
        ],
        mesh=plsc.VectorSubcoreMesh(**_SC_MESH),
        scratch_types=[
            pltpu.VMEM((CH3,), jnp.int32),
            pltpu.VMEM((CH3,), jnp.int32),
            pltpu.VMEM((CH3, 8), jnp.float32),
            pltpu.VMEM((CH3, 8), jnp.float32),
            pltpu.SemaphoreType.DMA,
            pltpu.SemaphoreType.DMA,
            pltpu.SemaphoreType.DMA,
        ],
        compiler_params=pltpu.CompilerParams(use_tc_tiling_on_sc=False),
    )
    return f(pos8, row, col)


ROWS_PER_TILE = 624


def _scatter_body(nch, msg_hbm, row_hbm, init_hbm, parts_hbm,
                  idxa_v, idxb_v, idxc2_v, mbuf, acc_sh, semi, sem):
    c = lax.axis_index("c")
    s = lax.axis_index("s")
    wid = s * 2 + c
    n_my = (nch - wid + NW - 1) // NW

    @pl.when(s == 0)
    def _():
        pltpu.sync_copy(init_hbm.at[pl.ds(c * N_NODES, N_NODES)], acc_sh)

    plsc.subcore_barrier()

    def step(i, carry):
        base = (wid + NW * i) * CH3
        ca = pltpu.async_copy(row_hbm.at[pl.ds(base, 128)], idxa_v, semi)
        cb = pltpu.async_copy(row_hbm.at[pl.ds(base + 128, 128)], idxb_v, semi)
        cc2 = pltpu.async_copy(row_hbm.at[pl.ds(base + 256, 64)], idxc2_v, semi)
        cm = pltpu.async_copy(msg_hbm.at[pl.ds(base, CH3)], mbuf, sem)
        ca.wait()
        cb.wait()
        cc2.wait()
        cm.wait()
        pltpu.sync_copy(mbuf.at[pl.ds(0, 128)], acc_sh.at[idxa_v], add=True)
        pltpu.sync_copy(mbuf.at[pl.ds(128, 128)], acc_sh.at[idxb_v], add=True)
        pltpu.sync_copy(mbuf.at[pl.ds(256, 64)], acc_sh.at[idxc2_v], add=True)
        return carry

    lax.fori_loop(0, n_my, step, 0)
    plsc.subcore_barrier()
    dst = c * N_NODES + s * ROWS_PER_TILE
    pltpu.sync_copy(acc_sh.at[pl.ds(s * ROWS_PER_TILE, ROWS_PER_TILE)],
                    parts_hbm.at[pl.ds(dst, ROWS_PER_TILE)])
    tail = 16 * ROWS_PER_TILE

    @pl.when(s == 0)
    def _():
        pltpu.sync_copy(acc_sh.at[pl.ds(tail, N_NODES - tail)],
                        parts_hbm.at[pl.ds(c * N_NODES + tail, N_NODES - tail)])


def _sc_scatter(msg, row, init):
    ne = row.shape[0]
    f = pl.kernel(
        functools.partial(_scatter_body, ne // CH3),
        out_type=jax.ShapeDtypeStruct((2 * N_NODES, D_OUT), jnp.float32),
        mesh=plsc.VectorSubcoreMesh(**_SC_MESH),
        scratch_types=[
            pltpu.VMEM((128,), jnp.int32),
            pltpu.VMEM((128,), jnp.int32),
            pltpu.VMEM((64,), jnp.int32),
            pltpu.VMEM((CH3, D_OUT), jnp.float32),
            pltpu.VMEM_SHARED((N_NODES, D_OUT), jnp.float32),
            pltpu.SemaphoreType.DMA,
            pltpu.SemaphoreType.DMA,
        ],
        compiler_params=pltpu.CompilerParams(use_tc_tiling_on_sc=False),
    )
    return f(msg, row, init)


def kernel(x, pos, edge_index, W1, W2, W3):
    row = edge_index[0]
    col = edge_index[1]
    xs = x[:, :MUL_IN]
    xv = x[:, MUL_IN:].reshape(N_NODES, MUL_IN, 3)
    xT = jnp.concatenate([xs, xv[:, :, 0], xv[:, :, 1], xv[:, :, 2]], axis=1)
    pos8 = jnp.pad(pos, ((0, 0), (0, 5)))
    w1c = W1 * np.float32(1.0 / np.sqrt(NUM_RBF))
    w2c = W2 * np.float32(1.0 / np.sqrt(HIDDEN))
    w3c = (W3 * np.float32(_ALPHA / np.sqrt(HIDDEN))).astype(jnp.bfloat16)

    half = E_EDGES // 2
    parts = jnp.zeros((2 * N_NODES, D_OUT), jnp.float32)
    msgs = []
    rows = []
    for lo in range(0, E_EDGES, half):
        r = lax.slice_in_dim(row, lo, lo + half)
        cc = lax.slice_in_dim(col, lo, lo + half)
        xg = _sc_gather(xT, r)
        posr, posc = _sc_pos(pos8, r, cc)
        msgs.append(_edge_tc(posr, posc, xg, w1c, w2c, w3c))
        rows.append(r)
    for m, r in zip(msgs, rows):
        parts = _sc_scatter(m, r, parts)
    return _act_tc(parts[:N_NODES], parts[N_NODES:])

# --- scband reference (transcript-rebuilt; emitter-appended) ---
"""Pipeline reference for scband-tfnfull-layer-2302102471545 (READ-ONLY COPY).

The authoritative reference and input builder live on the scoring server;
editing this copy changes nothing except your own understanding.
"""

import jax, jax.numpy as jnp
import numpy as np

N_NODES = 10000
E_EDGES = 160000
MUL_IN = 32
MUL_OUT = 8
D_IN = 4 * MUL_IN      # 32x0e + 32x1o -> 32 + 96 = 128
D_OUT = 4 * MUL_OUT    # 8x0e + 8x1o -> 8 + 24 = 32
NUM_RBF = 24
R_CUT = 10.0
HIDDEN = 64
W_NUMEL = 4 * MUL_IN * MUL_OUT  # 4 TP paths, uvw weights each 32x1x8
EDGE_CHUNK = 16384


def setup_inputs(seed: int = 0) -> dict:
    key = jax.random.key(seed)
    k = jax.random.split(key, 6)
    x = jax.random.normal(k[0], (N_NODES, D_IN), dtype=jnp.float32)
    pos = jax.random.normal(k[1], (N_NODES, 3), dtype=jnp.float32)
    edge_index = jax.random.randint(k[2], (2, E_EDGES), 0, N_NODES, dtype=jnp.int32)
    W1 = jax.random.normal(k[3], (NUM_RBF, HIDDEN), dtype=jnp.float32)
    W2 = jax.random.normal(k[4], (HIDDEN, HIDDEN), dtype=jnp.float32)
    W3 = jax.random.normal(k[5], (HIDDEN, W_NUMEL), dtype=jnp.float32)
    return {"x": x, "pos": pos, "edge_index": edge_index, "W1": W1, "W2": W2, "W3": W3}


def _rbf(r):
    # GaussianRBF: num_basis gaussians with centers on [0, r_cut]
    offsets = jnp.linspace(0.0, R_CUT, NUM_RBF)
    spacing = R_CUT / (NUM_RBF - 1)
    return jnp.exp(-0.5 * ((r - offsets[None, :]) / spacing) ** 2)


def _mlp(phi, W1, W2, W3):
    # e3nn FullyConnectedNet style: fan-in normalized linear layers, silu on hidden
    h = jax.nn.silu(phi @ W1 / np.sqrt(NUM_RBF))
    h = jax.nn.silu(h @ W2 / np.sqrt(HIDDEN))
    return h @ W3 / np.sqrt(HIDDEN)


def _sh_l01(vec):
    # spherical harmonics for 1x0e + 1x1o, normalize=True, normalization='component'
    r = jnp.linalg.norm(vec, axis=-1, keepdims=True)
    n = vec / (r + 1e-9)
    y0 = jnp.ones_like(r)
    # e3nn l=1 component order is (y, z, x), component norm -> sqrt(3) * unit vec
    y1 = np.sqrt(3.0) * jnp.stack([n[:, 1], n[:, 2], n[:, 0]], axis=-1)
    return y0, y1, r


def _forward(x, pos, edge_index, W1, W2, W3):
    row = edge_index[0]
    col = edge_index[1]
    E = row.shape[0]
    out = jnp.zeros((x.shape[0], D_OUT), dtype=jnp.float32)
    alpha = 1.0 / np.sqrt(2 * MUL_IN)  # path normalization, fan_in = 2 paths * mul_in per output irrep
    for s in range(0, E, EDGE_CHUNK):
        e = slice(s, min(s + EDGE_CHUNK, E))
        re_ = row[e]
        ce_ = col[e]
        vec = pos[re_] - pos[ce_]
        y0, y1, r = _sh_l01(vec)
        phi = _rbf(r)
        w = _mlp(phi, W1, W2, W3).reshape(-1, 4, MUL_IN, MUL_OUT)
        xe = x[re_]
        xs = xe[:, :MUL_IN]                           # 32x0e
        xv = xe[:, MUL_IN:].reshape(-1, MUL_IN, 3)    # 32x1o (mul-major)
        # FullyConnectedTensorProduct paths (uvw, per-edge weights):
        # p0: 0e x 0e -> 0e ; p1: 0e x 1o -> 1o ; p2: 1o x 0e -> 1o ; p3: 1o x 1o -> 0e
        s_in0 = xs * y0
        s_in1 = jnp.einsum('euk,ek->eu', xv, y1) / np.sqrt(3.0)
        out_s = alpha * (jnp.einsum('euw,eu->ew', w[:, 0], s_in0) + jnp.einsum('euw,eu->ew', w[:, 3], s_in1))
        v_a = jnp.einsum('euw,eu,ek->ewk', w[:, 1], xs, y1)
        v_b = jnp.einsum('euw,euk->ewk', w[:, 2], xv) * y0[:, :, None]
        out_v = alpha * (v_a + v_b)
        msg = jnp.concatenate([out_s, out_v.reshape(-1, 3 * MUL_OUT)], axis=-1)
        out = out.at[re_].add(msg)  # scatter_sum to row (aggregate_to='row')
    # Activation: silu on even scalars (8x0e), identity on 8x1o
    return jnp.concatenate([jax.nn.silu(out[:, :MUL_OUT]), out[:, MUL_OUT:]], axis=-1)


def reference(x, pos, edge_index, W1, W2, W3):
    return _forward(x, pos, edge_index, W1, W2, W3)

if __name__ == "__main__":
    import jax
    _d = setup_inputs()
    print(jax.jit(kernel)(*tuple(_d.values())))

</pallas_src>

<mosaic_0001>
#map = affine_map<(d0, d1) -> (0, 0)>
#map1 = affine_map<(d0, d1) -> (0)>
module attributes {stable_mosaic.version = 14 : i64} {
  func.func @_gather_body(%arg0: i32, %arg1: i32, %arg2: memref<10000x128xf32, #tpu.memory_space<hbm>>, %arg3: memref<80000xi32, #tpu.memory_space<hbm>>, %arg4: memref<80000x128xf32, #tpu.memory_space<hbm>>, %arg5: memref<320xi32, #tpu.memory_space<vmem>>, %arg6: memref<320x128xf32, #tpu.memory_space<vmem>>, %arg7: memref<!tpu.dma_semaphore, #tpu.memory_space<semaphore_mem>>, %arg8: memref<!tpu.dma_semaphore, #tpu.memory_space<semaphore_mem>>) attributes {dimension_semantics = [#tpu.dimension_semantics<core_parallel>, #tpu.dimension_semantics<subcore_parallel>], iteration_bounds = array<i64: 2, 16>, scalar_prefetch = 0 : i64, scratch_operands = 4 : i64, tpu.core_type = #tpu.core_type<sc_vector_subcore>, window_params = [{transform_indices = #map}, {transform_indices = #map1}, {transform_indices = #map}]} {
    %mul3A = arith.constant 2 : i32
    %mul3A_0 = arith.muli %arg1, %mul3A : i32
    %add3A = arith.addi %mul3A_0, %arg0 : i32
    %sub3A = arith.constant 250 : i32
    %sub3A_1 = arith.subi %sub3A, %add3A : i32
    %add3A_2 = arith.constant 32 : i32
    %add3A_3 = arith.addi %sub3A_1, %add3A_2 : i32
    %sub3A_4 = arith.constant 1 : i32
    %sub3A_5 = arith.subi %add3A_3, %sub3A_4 : i32
    %jit3A = arith.constant 32 : i32
    %div3A = arith.divsi %sub3A_5, %jit3A : i32
    %sign3A = arith.constant 0 : i32
    %sign3A_6 = arith.cmpi sgt, %sub3A_5, %sign3A : i32
    %sign3A_7 = arith.extui %sign3A_6 : i1 to i32
    %sign3A_8 = arith.constant 0 : i32
    %sign3A_9 = arith.cmpi slt, %sub3A_5, %sign3A_8 : i32
    %sign3A_10 = arith.extui %sign3A_9 : i1 to i32
    %sign3A_11 = arith.subi %sign3A_7, %sign3A_10 : i32
    %sign3A_12 = arith.constant 0 : i32
    %sign3A_13 = arith.cmpi sgt, %jit3A, %sign3A_12 : i32
    %sign3A_14 = arith.extui %sign3A_13 : i1 to i32
    %sign3A_15 = arith.constant 0 : i32
    %sign3A_16 = arith.cmpi slt, %jit3A, %sign3A_15 : i32
    %sign3A_17 = arith.extui %sign3A_16 : i1 to i32
    %sign3A_18 = arith.subi %sign3A_14, %sign3A_17 : i32
    %ne3A = arith.cmpi ne, %sign3A_11, %sign3A_18 : i32
    %rem3A = arith.remsi %sub3A_5, %jit3A : i32
    %ne3A_19 = arith.constant 0 : i32
    %ne3A_20 = arith.cmpi ne, %rem3A, %ne3A_19 : i32
    %and3A = arith.andi %ne3A, %ne3A_20 : i1
    %sub3A_21 = arith.constant 1 : i32
    %sub3A_22 = arith.subi %div3A, %sub3A_21 : i32
    %select_n3A = arith.select %and3A, %sub3A_22, %div3A : i32
    %while3A = arith.constant 0 : i32
    %while3A_23 = arith.constant 0 : i32
    %while3A_24 = arith.subi %select_n3A, %while3A_23 : i32
    %while3A_25 = arith.addi %while3A_23, %while3A_24 : i32
    %while3A_26 = arith.constant 1 : i32
    %while3A_27 = arith.divsi %while3A_24, %while3A_26 : i32
    %while3A_28 = arith.muli %while3A_27, %while3A_26 : i32
    %while3A_29 = arith.addi %while3A_23, %while3A_28 : i32
    %while3A_30 = arith.constant 1 : i32
    scf.for %while3A_32 = %while3A_23 to %while3A_29 step %while3A_30  : i32 {
      %mul3A_33 = arith.constant 32 : i32
      %mul3A_34 = arith.muli %mul3A_33, %while3A_32 : i32
      %add3A_35 = arith.addi %add3A, %mul3A_34 : i32
      %mul3A_36 = arith.constant 320 : i32
      %mul3A_37 = arith.muli %add3A_35, %mul3A_36 : i32
      %dma_start3A = tpu.memref_slice %arg3[%mul3A_37] : memref<80000xi32, #tpu.memory_space<hbm>> -> memref<320xi32, #tpu.memory_space<hbm>>
      %dma_start3A_38 = tpu.memref_slice %arg3[%mul3A_37] : memref<80000xi32, #tpu.memory_space<hbm>> -> memref<320xi32, #tpu.memory_space<hbm>>
      tpu.enqueue_dma source(%dma_start3A_38 : memref<320xi32, #tpu.memory_space<hbm>>) target(%arg5 : memref<320xi32, #tpu.memory_space<vmem>>) target_semaphore(%arg7 : memref<!tpu.dma_semaphore, #tpu.memory_space<semaphore_mem>>)
      %dma_wait3A = tpu.memref_slice %arg3[%mul3A_37] : memref<80000xi32, #tpu.memory_space<hbm>> -> memref<320xi32, #tpu.memory_space<hbm>>
      %dma_wait3A_39 = tpu.memref_slice %arg3[%mul3A_37] : memref<80000xi32, #tpu.memory_space<hbm>> -> memref<320xi32, #tpu.memory_space<hbm>>
      tpu.wait_dma2 semaphore(%arg7 : memref<!tpu.dma_semaphore, #tpu.memory_space<semaphore_mem>>) src(%dma_wait3A_39 : memref<320xi32, #tpu.memory_space<hbm>>) dst(%arg5 : memref<320xi32, #tpu.memory_space<vmem>>)
      %dma_start3A_40 = arith.constant 0 : i32
      %dma_start3A_41 = arith.constant 0 : i32
      %dma_start3A_42 = tpu.memref_slice %arg6[%dma_start3A_40, %dma_start3A_41] : memref<320x128xf32, #tpu.memory_space<vmem>> -> memref<128x128xf32, #tpu.memory_space<vmem>>
      %dma_start3A_43 = arith.constant 0 : i32
      %dma_start3A_44 = tpu.memref_slice %arg5[%dma_start3A_43] : memref<320xi32, #tpu.memory_space<vmem>> -> memref<128xi32, #tpu.memory_space<vmem>>
      %dma_start3A_45 = arith.constant 0 : i32
      %dma_start3A_46 = arith.constant 0 : i32
      %dma_start3A_47 = tpu.memref_slice %arg2[%dma_start3A_45, %dma_start3A_46] : memref<10000x128xf32, #tpu.memory_space<hbm>> -> memref<10000x128xf32, #tpu.memory_space<hbm>>
      tpu.enqueue_indirect_dma source(%dma_start3A_47 : memref<10000x128xf32, #tpu.memory_space<hbm>>) target(%dma_start3A_42 : memref<128x128xf32, #tpu.memory_space<vmem>>) offsets(%dma_start3A_44 : memref<128xi32, #tpu.memory_space<vmem>>) semaphore(%arg8 : memref<!tpu.dma_semaphore, #tpu.memory_space<semaphore_mem>>)
      %dma_start3A_48 = arith.constant 128 : i32
      %dma_start3A_49 = arith.constant 0 : i32
      %dma_start3A_50 = tpu.memref_slice %arg6[%dma_start3A_48, %dma_start3A_49] : memref<320x128xf32, #tpu.memory_space<vmem>> -> memref<128x128xf32, #tpu.memory_space<vmem>>
      %dma_start3A_51 = arith.constant 128 : i32
      %dma_start3A_52 = tpu.memref_slice %arg5[%dma_start3A_51] : memref<320xi32, #tpu.memory_space<vmem>> -> memref<128xi32, #tpu.memory_space<vmem>>
      %dma_start3A_53 = arith.constant 0 : i32
      %dma_start3A_54 = arith.constant 0 : i32
      %dma_start3A_55 = tpu.memref_slice %arg2[%dma_start3A_53, %dma_start3A_54] : memref<10000x128xf32, #tpu.memory_space<hbm>> -> memref<10000x128xf32, #tpu.memory_space<hbm>>
      tpu.enqueue_indirect_dma source(%dma_start3A_55 : memref<10000x128xf32, #tpu.memory_space<hbm>>) target(%dma_start3A_50 : memref<128x128xf32, #tpu.memory_space<vmem>>) offsets(%dma_start3A_52 : memref<128xi32, #tpu.memory_space<vmem>>) semaphore(%arg8 : memref<!tpu.dma_semaphore, #tpu.memory_space<semaphore_mem>>)
      %dma_start3A_56 = arith.constant 256 : i32
      %dma_start3A_57 = arith.constant 0 : i32
      %dma_start3A_58 = tpu.memref_slice %arg6[%dma_start3A_56, %dma_start3A_57] : memref<320x128xf32, #tpu.memory_space<vmem>> -> memref<64x128xf32, #tpu.memory_space<vmem>>
      %dma_start3A_59 = arith.constant 256 : i32
      %dma_start3A_60 = tpu.memref_slice %arg5[%dma_start3A_59] : memref<320xi32, #tpu.memory_space<vmem>> -> memref<64xi32, #tpu.memory_space<vmem>>
      %dma_start3A_61 = arith.constant 0 : i32
      %dma_start3A_62 = arith.constant 0 : i32
      %dma_start3A_63 = tpu.memref_slice %arg2[%dma_start3A_61, %dma_start3A_62] : memref<10000x128xf32, #tpu.memory_space<hbm>> -> memref<10000x128xf32, #tpu.memory_space<hbm>>
      tpu.enqueue_indirect_dma source(%dma_start3A_63 : memref<10000x128xf32, #tpu.memory_space<hbm>>) target(%dma_start3A_58 : memref<64x128xf32, #tpu.memory_space<vmem>>) offsets(%dma_start3A_60 : memref<64xi32, #tpu.memory_space<vmem>>) semaphore(%arg8 : memref<!tpu.dma_semaphore, #tpu.memory_space<semaphore_mem>>)
      %dma_wait3A_64 = arith.constant 0 : i32
      %dma_wait3A_65 = arith.constant 0 : i32
      %dma_wait3A_66 = tpu.memref_slice %arg6[%dma_wait3A_64, %dma_wait3A_65] : memref<320x128xf32, #tpu.memory_space<vmem>> -> memref<128x128xf32, #tpu.memory_space<vmem>>
      %dma_wait3A_67 = arith.constant 0 : i32
      %dma_wait3A_68 = tpu.memref_slice %arg5[%dma_wait3A_67] : memref<320xi32, #tpu.memory_space<vmem>> -> memref<128xi32, #tpu.memory_space<vmem>>
      %dma_wait3A_69 = arith.constant 0 : i32
      %dma_wait3A_70 = arith.constant 0 : i32
      %dma_wait3A_71 = tpu.memref_slice %arg2[%dma_wait3A_69, %dma_wait3A_70] : memref<10000x128xf32, #tpu.memory_space<hbm>> -> memref<10000x128xf32, #tpu.memory_space<hbm>>
      tpu.wait_indirect_dma semaphore(%arg8 : memref<!tpu.dma_semaphore, #tpu.memory_space<semaphore_mem>>) src(%dma_wait3A_71 : memref<10000x128xf32, #tpu.memory_space<hbm>>) dst(%dma_wait3A_66 : memref<128x128xf32, #tpu.memory_space<vmem>>)
      %dma_wait3A_72 = arith.constant 128 : i32
      %dma_wait3A_73 = arith.constant 0 : i32
      %dma_wait3A_74 = tpu.memref_slice %arg6[%dma_wait3A_72, %dma_wait3A_73] : memref<320x128xf32, #tpu.memory_space<vmem>> -> memref<128x128xf32, #tpu.memory_space<vmem>>
      %dma_wait3A_75 = arith.constant 128 : i32
      %dma_wait3A_76 = tpu.memref_slice %arg5[%dma_wait3A_75] : memref<320xi32, #tpu.memory_space<vmem>> -> memref<128xi32, #tpu.memory_space<vmem>>
      %dma_wait3A_77 = arith.constant 0 : i32
      %dma_wait3A_78 = arith.constant 0 : i32
      %dma_wait3A_79 = tpu.memref_slice %arg2[%dma_wait3A_77, %dma_wait3A_78] : memref<10000x128xf32, #tpu.memory_space<hbm>> -> memref<10000x128xf32, #tpu.memory_space<hbm>>
      tpu.wait_indirect_dma semaphore(%arg8 : memref<!tpu.dma_semaphore, #tpu.memory_space<semaphore_mem>>) src(%dma_wait3A_79 : memref<10000x128xf32, #tpu.memory_space<hbm>>) dst(%dma_wait3A_74 : memref<128x128xf32, #tpu.memory_space<vmem>>)
      %dma_wait3A_80 = arith.constant 256 : i32
      %dma_wait3A_81 = arith.constant 0 : i32
      %dma_wait3A_82 = tpu.memref_slice %arg6[%dma_wait3A_80, %dma_wait3A_81] : memref<320x128xf32, #tpu.memory_space<vmem>> -> memref<64x128xf32, #tpu.memory_space<vmem>>
      %dma_wait3A_83 = arith.constant 256 : i32
      %dma_wait3A_84 = tpu.memref_slice %arg5[%dma_wait3A_83] : memref<320xi32, #tpu.memory_space<vmem>> -> memref<64xi32, #tpu.memory_space<vmem>>
      %dma_wait3A_85 = arith.constant 0 : i32
      %dma_wait3A_86 = arith.constant 0 : i32
      %dma_wait3A_87 = tpu.memref_slice %arg2[%dma_wait3A_85, %dma_wait3A_86] : memref<10000x128xf32, #tpu.memory_space<hbm>> -> memref<10000x128xf32, #tpu.memory_space<hbm>>
      tpu.wait_indirect_dma semaphore(%arg8 : memref<!tpu.dma_semaphore, #tpu.memory_space<semaphore_mem>>) src(%dma_wait3A_87 : memref<10000x128xf32, #tpu.memory_space<hbm>>) dst(%dma_wait3A_82 : memref<64x128xf32, #tpu.memory_space<vmem>>)
      "tpu.region"() ({
        %run_scoped3A = tpu.sem_alloc : memref<!tpu.dma_semaphore, #tpu.memory_space<semaphore_mem>>
        %dma_start3A_88 = arith.constant 0 : i32
        %dma_start3A_89 = tpu.memref_slice %arg4[%mul3A_37, %dma_start3A_88] : memref<80000x128xf32, #tpu.memory_space<hbm>> -> memref<320x128xf32, #tpu.memory_space<hbm>>
        %dma_start3A_90 = arith.constant 0 : i32
        %dma_start3A_91 = tpu.memref_slice %arg4[%mul3A_37, %dma_start3A_90] : memref<80000x128xf32, #tpu.memory_space<hbm>> -> memref<320x128xf32, #tpu.memory_space<hbm>>
        tpu.enqueue_dma source(%arg6 : memref<320x128xf32, #tpu.memory_space<vmem>>) target(%dma_start3A_91 : memref<320x128xf32, #tpu.memory_space<hbm>>) target_semaphore(%run_scoped3A : memref<!tpu.dma_semaphore, #tpu.memory_space<semaphore_mem>>)
        %dma_wait3A_92 = arith.constant 0 : i32
        %dma_wait3A_93 = tpu.memref_slice %arg4[%mul3A_37, %dma_wait3A_92] : memref<80000x128xf32, #tpu.memory_space<hbm>> -> memref<320x128xf32, #tpu.memory_space<hbm>>
        %dma_wait3A_94 = arith.constant 0 : i32
        %dma_wait3A_95 = tpu.memref_slice %arg4[%mul3A_37, %dma_wait3A_94] : memref<80000x128xf32, #tpu.memory_space<hbm>> -> memref<320x128xf32, #tpu.memory_space<hbm>>
        tpu.wait_dma2 semaphore(%run_scoped3A : memref<!tpu.dma_semaphore, #tpu.memory_space<semaphore_mem>>) src(%arg6 : memref<320x128xf32, #tpu.memory_space<vmem>>) dst(%dma_wait3A_95 : memref<320x128xf32, #tpu.memory_space<hbm>>)
        tpu.yield
      }) : () -> ()
    }
    %while3A_31 = arith.constant 1 : i32
    scf.for %while3A_32 = %while3A_29 to %while3A_25 step %while3A_31  : i32 {
      %mul3A_33 = arith.constant 32 : i32
      %mul3A_34 = arith.muli %mul3A_33, %while3A_32 : i32
      %add3A_35 = arith.addi %add3A, %mul3A_34 : i32
      %mul3A_36 = arith.constant 320 : i32
      %mul3A_37 = arith.muli %add3A_35, %mul3A_36 : i32
      %dma_start3A = tpu.memref_slice %arg3[%mul3A_37] : memref<80000xi32, #tpu.memory_space<hbm>> -> memref<320xi32, #tpu.memory_space<hbm>>
      %dma_start3A_38 = tpu.memref_slice %arg3[%mul3A_37] : memref<80000xi32, #tpu.memory_space<hbm>> -> memref<320xi32, #tpu.memory_space<hbm>>
      tpu.enqueue_dma source(%dma_start3A_38 : memref<320xi32, #tpu.memory_space<hbm>>) target(%arg5 : memref<320xi32, #tpu.memory_space<vmem>>) target_semaphore(%arg7 : memref<!tpu.dma_semaphore, #tpu.memory_space<semaphore_mem>>)
      %dma_wait3A = tpu.memref_slice %arg3[%mul3A_37] : memref<80000xi32, #tpu.memory_space<hbm>> -> memref<320xi32, #tpu.memory_space<hbm>>
      %dma_wait3A_39 = tpu.memref_slice %arg3[%mul3A_37] : memref<80000xi32, #tpu.memory_space<hbm>> -> memref<320xi32, #tpu.memory_space<hbm>>
      tpu.wait_dma2 semaphore(%arg7 : memref<!tpu.dma_semaphore, #tpu.memory_space<semaphore_mem>>) src(%dma_wait3A_39 : memref<320xi32, #tpu.memory_space<hbm>>) dst(%arg5 : memref<320xi32, #tpu.memory_space<vmem>>)
      %dma_start3A_40 = arith.constant 0 : i32
      %dma_start3A_41 = arith.constant 0 : i32
      %dma_start3A_42 = tpu.memref_slice %arg6[%dma_start3A_40, %dma_start3A_41] : memref<320x128xf32, #tpu.memory_space<vmem>> -> memref<128x128xf32, #tpu.memory_space<vmem>>
      %dma_start3A_43 = arith.constant 0 : i32
      %dma_start3A_44 = tpu.memref_slice %arg5[%dma_start3A_43] : memref<320xi32, #tpu.memory_space<vmem>> -> memref<128xi32, #tpu.memory_space<vmem>>
      %dma_start3A_45 = arith.constant 0 : i32
      %dma_start3A_46 = arith.constant 0 : i32
      %dma_start3A_47 = tpu.memref_slice %arg2[%dma_start3A_45, %dma_start3A_46] : memref<10000x128xf32, #tpu.memory_space<hbm>> -> memref<10000x128xf32, #tpu.memory_space<hbm>>
      tpu.enqueue_indirect_dma source(%dma_start3A_47 : memref<10000x128xf32, #tpu.memory_space<hbm>>) target(%dma_start3A_42 : memref<128x128xf32, #tpu.memory_space<vmem>>) offsets(%dma_start3A_44 : memref<128xi32, #tpu.memory_space<vmem>>) semaphore(%arg8 : memref<!tpu.dma_semaphore, #tpu.memory_space<semaphore_mem>>)
      %dma_start3A_48 = arith.constant 128 : i32
      %dma_start3A_49 = arith.constant 0 : i32
      %dma_start3A_50 = tpu.memref_slice %arg6[%dma_start3A_48, %dma_start3A_49] : memref<320x128xf32, #tpu.memory_space<vmem>> -> memref<128x128xf32, #tpu.memory_space<vmem>>
      %dma_start3A_51 = arith.constant 128 : i32
      %dma_start3A_52 = tpu.memref_slice %arg5[%dma_start3A_51] : memref<320xi32, #tpu.memory_space<vmem>> -> memref<128xi32, #tpu.memory_space<vmem>>
      %dma_start3A_53 = arith.constant 0 : i32
      %dma_start3A_54 = arith.constant 0 : i32
      %dma_start3A_55 = tpu.memref_slice %arg2[%dma_start3A_53, %dma_start3A_54] : memref<10000x128xf32, #tpu.memory_space<hbm>> -> memref<10000x128xf32, #tpu.memory_space<hbm>>
      tpu.enqueue_indirect_dma source(%dma_start3A_55 : memref<10000x128xf32, #tpu.memory_space<hbm>>) target(%dma_start3A_50 : memref<128x128xf32, #tpu.memory_space<vmem>>) offsets(%dma_start3A_52 : memref<128xi32, #tpu.memory_space<vmem>>) semaphore(%arg8 : memref<!tpu.dma_semaphore, #tpu.memory_space<semaphore_mem>>)
      %dma_start3A_56 = arith.constant 256 : i32
      %dma_start3A_57 = arith.constant 0 : i32
      %dma_start3A_58 = tpu.memref_slice %arg6[%dma_start3A_56, %dma_start3A_57] : memref<320x128xf32, #tpu.memory_space<vmem>> -> memref<64x128xf32, #tpu.memory_space<vmem>>
      %dma_start3A_59 = arith.constant 256 : i32
      %dma_start3A_60 = tpu.memref_slice %arg5[%dma_start3A_59] : memref<320xi32, #tpu.memory_space<vmem>> -> memref<64xi32, #tpu.memory_space<vmem>>
      %dma_start3A_61 = arith.constant 0 : i32
      %dma_start3A_62 = arith.constant 0 : i32
      %dma_start3A_63 = tpu.memref_slice %arg2[%dma_start3A_61, %dma_start3A_62] : memref<10000x128xf32, #tpu.memory_space<hbm>> -> memref<10000x128xf32, #tpu.memory_space<hbm>>
      tpu.enqueue_indirect_dma source(%dma_start3A_63 : memref<10000x128xf32, #tpu.memory_space<hbm>>) target(%dma_start3A_58 : memref<64x128xf32, #tpu.memory_space<vmem>>) offsets(%dma_start3A_60 : memref<64xi32, #tpu.memory_space<vmem>>) semaphore(%arg8 : memref<!tpu.dma_semaphore, #tpu.memory_space<semaphore_mem>>)
      %dma_wait3A_64 = arith.constant 0 : i32
      %dma_wait3A_65 = arith.constant 0 : i32
      %dma_wait3A_66 = tpu.memref_slice %arg6[%dma_wait3A_64, %dma_wait3A_65] : memref<320x128xf32, #tpu.memory_space<vmem>> -> memref<128x128xf32, #tpu.memory_space<vmem>>
      %dma_wait3A_67 = arith.constant 0 : i32
      %dma_wait3A_68 = tpu.memref_slice %arg5[%dma_wait3A_67] : memref<320xi32, #tpu.memory_space<vmem>> -> memref<128xi32, #tpu.memory_space<vmem>>
      %dma_wait3A_69 = arith.constant 0 : i32
      %dma_wait3A_70 = arith.constant 0 : i32
      %dma_wait3A_71 = tpu.memref_slice %arg2[%dma_wait3A_69, %dma_wait3A_70] : memref<10000x128xf32, #tpu.memory_space<hbm>> -> memref<10000x128xf32, #tpu.memory_space<hbm>>
      tpu.wait_indirect_dma semaphore(%arg8 : memref<!tpu.dma_semaphore, #tpu.memory_space<semaphore_mem>>) src(%dma_wait3A_71 : memref<10000x128xf32, #tpu.memory_space<hbm>>) dst(%dma_wait3A_66 : memref<128x128xf32, #tpu.memory_space<vmem>>)
      %dma_wait3A_72 = arith.constant 128 : i32
      %dma_wait3A_73 = arith.constant 0 : i32
      %dma_wait3A_74 = tpu.memref_slice %arg6[%dma_wait3A_72, %dma_wait3A_73] : memref<320x128xf32, #tpu.memory_space<vmem>> -> memref<128x128xf32, #tpu.memory_space<vmem>>
      %dma_wait3A_75 = arith.constant 128 : i32
      %dma_wait3A_76 = tpu.memref_slice %arg5[%dma_wait3A_75] : memref<320xi32, #tpu.memory_space<vmem>> -> memref<128xi32, #tpu.memory_space<vmem>>
      %dma_wait3A_77 = arith.constant 0 : i32
      %dma_wait3A_78 = arith.constant 0 : i32
      %dma_wait3A_79 = tpu.memref_slice %arg2[%dma_wait3A_77, %dma_wait3A_78] : memref<10000x128xf32, #tpu.memory_space<hbm>> -> memref<10000x128xf32, #tpu.memory_space<hbm>>
      tpu.wait_indirect_dma semaphore(%arg8 : memref<!tpu.dma_semaphore, #tpu.memory_space<semaphore_mem>>) src(%dma_wait3A_79 : memref<10000x128xf32, #tpu.memory_space<hbm>>) dst(%dma_wait3A_74 : memref<128x128xf32, #tpu.memory_space<vmem>>)
      %dma_wait3A_80 = arith.constant 256 : i32
      %dma_wait3A_81 = arith.constant 0 : i32
      %dma_wait3A_82 = tpu.memref_slice %arg6[%dma_wait3A_80, %dma_wait3A_81] : memref<320x128xf32, #tpu.memory_space<vmem>> -> memref<64x128xf32, #tpu.memory_space<vmem>>
      %dma_wait3A_83 = arith.constant 256 : i32
      %dma_wait3A_84 = tpu.memref_slice %arg5[%dma_wait3A_83] : memref<320xi32, #tpu.memory_space<vmem>> -> memref<64xi32, #tpu.memory_space<vmem>>
      %dma_wait3A_85 = arith.constant 0 : i32
      %dma_wait3A_86 = arith.constant 0 : i32
      %dma_wait3A_87 = tpu.memref_slice %arg2[%dma_wait3A_85, %dma_wait3A_86] : memref<10000x128xf32, #tpu.memory_space<hbm>> -> memref<10000x128xf32, #tpu.memory_space<hbm>>
      tpu.wait_indirect_dma semaphore(%arg8 : memref<!tpu.dma_semaphore, #tpu.memory_space<semaphore_mem>>) src(%dma_wait3A_87 : memref<10000x128xf32, #tpu.memory_space<hbm>>) dst(%dma_wait3A_82 : memref<64x128xf32, #tpu.memory_space<vmem>>)
      "tpu.region"() ({
        %run_scoped3A = tpu.sem_alloc : memref<!tpu.dma_semaphore, #tpu.memory_space<semaphore_mem>>
        %dma_start3A_88 = arith.constant 0 : i32
        %dma_start3A_89 = tpu.memref_slice %arg4[%mul3A_37, %dma_start3A_88] : memref<80000x128xf32, #tpu.memory_space<hbm>> -> memref<320x128xf32, #tpu.memory_space<hbm>>
        %dma_start3A_90 = arith.constant 0 : i32
        %dma_start3A_91 = tpu.memref_slice %arg4[%mul3A_37, %dma_start3A_90] : memref<80000x128xf32, #tpu.memory_space<hbm>> -> memref<320x128xf32, #tpu.memory_space<hbm>>
        tpu.enqueue_dma source(%arg6 : memref<320x128xf32, #tpu.memory_space<vmem>>) target(%dma_start3A_91 : memref<320x128xf32, #tpu.memory_space<hbm>>) target_semaphore(%run_scoped3A : memref<!tpu.dma_semaphore, #tpu.memory_space<semaphore_mem>>)
        %dma_wait3A_92 = arith.constant 0 : i32
        %dma_wait3A_93 = tpu.memref_slice %arg4[%mul3A_37, %dma_wait3A_92] : memref<80000x128xf32, #tpu.memory_space<hbm>> -> memref<320x128xf32, #tpu.memory_space<hbm>>
        %dma_wait3A_94 = arith.constant 0 : i32
        %dma_wait3A_95 = tpu.memref_slice %arg4[%mul3A_37, %dma_wait3A_94] : memref<80000x128xf32, #tpu.memory_space<hbm>> -> memref<320x128xf32, #tpu.memory_space<hbm>>
        tpu.wait_dma2 semaphore(%run_scoped3A : memref<!tpu.dma_semaphore, #tpu.memory_space<semaphore_mem>>) src(%arg6 : memref<320x128xf32, #tpu.memory_space<vmem>>) dst(%dma_wait3A_95 : memref<320x128xf32, #tpu.memory_space<hbm>>)
        tpu.yield
      }) : () -> ()
    }
    return
  }
}

</mosaic_0001>

<sc_bundles>
// kernel: _sc_gather.3.cloned.1.call-start
scs
__scs_entry_jumppad:
0x0: {  	(pc) =	sbr.rel $0x88, $3  }
0x1: {  	(tag) =	ssettag $0x0;
	lr =	simm.s32 $0x1  }
0x2: {  	[smem:$0x3F9F] =	sst lr;
	_ =	strace $0xD0000000  }
0x3: {  	_ = 	snop  }
0x4: {  	_ = 	snop  }
0x5: {  	_ = 	snop  }
0x6: {  	_ = 	snop  }
0x7: {  	_ = 	snop  }
__scs_overlays_trampoline_lowered:
0x8: {  	[smem:$0x3FAE] =	sst s0  }
0x9: {  	[smem:$0x3FAF] =	sst s1  }
0xa: {  	[smem:$0x3FB0] =	sst s2  }
0xb: {  	[smem:$0x3FB1] =	sst s3  }
0xc: {  	[smem:$0x3FB2] =	sst s4  }
0xd: {  	[smem:$0x3FB3] =	sst s5  }
0xe: {  	[smem:$0x3FB4] =	sst s6  }
0xf: {  	[smem:$0x3FB5] =	sst s7  }
0x10: {  	[smem:$0x3FB6] =	sst s8  }
0x11: {  	[smem:$0x3FB7] =	sst s9;
	s0 =	simm.s32 @!p0 $0x0  }
0x12: {  	s1 =	sld [smem:$0x3F9D];
	s0 =	simm.s32 @p0 $0x1  }
0x13: {  	[smem:$0x3FB8] =	sst s0;
	s0 =	simm.s32 @!p1 $0x0  }
0x14: {  	s2 =	sld [smem:$0x3F9C];
	s0 =	simm.s32 @p1 $0x1  }
0x15: {  	[smem:$0x3FB9] =	sst s0;
	s0 =	simm.s32 @!p2 $0x0  }
0x16: {  	s3 =	sld [smem:$0x3FDB];
	s0 =	simm.s32 @p2 $0x1  }
0x17: {  	s4 =	simm.s32 $0x1BF5;
	[smem:$0x3FBB] =	sst s0  }
0x18: {  	s0 =	sld [smem:$0x3F9E];
	_ =	swait.ge [sflag:s4], $0x0  }
0x19: {  	s7 =	sld [smem:$0x3F9F]  }
0x1a: {  	s8 =	sadd.s32 $0xFFFFE003, lr  }
0x1b: {  	s9 =	sadd.s32 $0xFFFFFEF7, lr;
	s5 =	simm.s32 $0xFFFFFFFF;
	p2 =	slt.u32 s8, $0xFFFFF086  }
0x1c: {  	p1 =	slt.u32 s9, $0xF7A;
	s5 =	simm.s32 @!p2 $0x0  }
0x1d: {  	s5 =	simm.s32 @p1 $0x1;
	p0 =	seq.s32 s7, s2  }
0x1e: {  	s7 =	smul.u32 @!p0 $0xF7A, s2;
	p2 =	seq.s32 @!p0 s5, $0x0  }
0x1f: {  	s9 =	smul.u32 $0xF7A, s1;
	s8 =	simm.s32 @!p0 $0x1BF5;
	p2 =	por !p2, p0  }
0x20: {  	[sflag:s8] =	ssyncset.s32 @!p0 $0xFFFFF086;
	s6 =	sadd.s32 @!p0 s3, s7;
	s7 =	simm.s32 @!p0 $0x108  }
0x21: {  	s3 =	sadd.s32 s3, s9;
	s6 =	sadd.s32 @!p0 $0x88, s6;
	s7 =	simm.s32 @p2 $0x1082  }
0x22: {  	[simem:s7], [sflag:s8] =	dma.local @!p0 [hbm:s6], $0xF7A  }
0x23: {  	s9 =	sor.u32 $0xD0000000, s2;
	s6 =	simm.s32 $0x108;
	_ =	swait.ge @!p0 [sflag:s8], $0x0  }
0x24: {  	s3 =	sadd.s32 $0x88, s3;
	s6 =	simm.s32 @!p1 $0x1082;
	[sflag:s4] =	ssyncset.s32 $0xFFFFF086  }
0x25: {  	[simem:s6], [sflag:s4] =	dma.local [hbm:s3], $0xF7A  }
0x26: {  	[smem:$0x3F9F] =	sst s1;
	(tag) =	ssettag s2;
	_ =	strace s9  }
0x27: {  	s1 =	sld [smem:$0x3FAF]  }
0x28: {  	s2 =	sld [smem:$0x3FB0]  }
0x29: {  	s4 =	sld [smem:$0x3FB2]  }
0x2a: {  	p0 =	seq.s32 s5, $0x0;
	s5 =	sld [smem:$0x3FB3]  }
0x2b: {  	s6 =	sld [smem:$0x3FB4]  }
0x2c: {  	s7 =	sld [smem:$0x3FB5]  }
0x2d: {  	s3 =	simm.s32 $0x108;
	s8 =	sld [smem:$0x3FB6]  }
0x2e: {  	s3 =	simm.s32 @!p0 $0x1082;
	s9 =	sld [smem:$0x3FB7]  }
0x2f: {  	lr =	sadd.s32 s0, s3;
	s0 =	sld [smem:$0x3FAE]  }
0x30: {  	s3 =	sld [smem:$0x3FB1]  }
0x31: {  	[smem:$0x3FBA] =	sst s10  }
0x32: {  	s10 =	sld [smem:$0x3FB8];
	_ =	sdelay $0x3  }
0x33: {  	p0 =	seq.s32 s10, $0x1;
	s10 =	sld [smem:$0x3FBA];
	_ =	sdelay $0x3  }
0x34: {  	[smem:$0x3FBA] =	sst s10  }
0x35: {  	s10 =	sld [smem:$0x3FB9];
	_ =	sdelay $0x3  }
0x36: {  	p1 =	seq.s32 s10, $0x1;
	s10 =	sld [smem:$0x3FBA];
	_ =	sdelay $0x3  }
0x37: {  	[smem:$0x3FBA] =	sst s10  }
0x38: {  	s10 =	sld [smem:$0x3FBB]  }
0x39: {  	_ = 	snop;
	(pc) =	sbr.ind lr, $3  }
0x3a: {  	_ = 	snop  }
0x3b: {  	_ = 	snop  }
0x3c: {  	p2 =	seq.s32 s10, $0x1;
	s10 =	sld [smem:$0x3FBA]  }
0x3d: {  	_ =	shalt  }
0x3e: {  	_ =	shalt  }
0x3f: {  	_ =	shalt  }
0x40: {  	_ =	shalt  }
0x41: {  	_ =	shalt  }
0x42: {  	_ =	shalt  }
0x43: {  	_ =	shalt  }
0x44: {  	_ =	shalt  }
0x45: {  	_ =	shalt  }
0x46: {  	_ =	shalt  }
0x47: {  	_ =	shalt  }
0x48: {  	_ =	shalt  }
0x49: {  	_ =	shalt  }
0x4a: {  	_ =	shalt  }
0x4b: {  	_ =	shalt  }
0x4c: {  	_ =	shalt  }
0x4d: {  	_ =	shalt  }
0x4e: {  	_ =	shalt  }
0x4f: {  	_ =	shalt  }
0x50: {  	_ =	shalt  }
0x51: {  	_ =	shalt  }
0x52: {  	_ =	shalt  }
0x53: {  	_ =	shalt  }
0x54: {  	_ =	shalt  }
0x55: {  	_ =	shalt  }
0x56: {  	_ =	shalt  }
0x57: {  	_ =	shalt  }
0x58: {  	_ =	shalt  }
0x59: {  	_ =	shalt  }
0x5a: {  	_ =	shalt  }
0x5b: {  	_ =	shalt  }
0x5c: {  	_ =	shalt  }
0x5d: {  	_ =	shalt  }
0x5e: {  	_ =	shalt  }
0x5f: {  	_ =	shalt  }
0x60: {  	_ =	shalt  }
0x61: {  	_ =	shalt  }
0x62: {  	_ =	shalt  }
0x63: {  	_ =	shalt  }
0x64: {  	_ =	shalt  }
0x65: {  	_ =	shalt  }
0x66: {  	_ =	shalt  }
0x67: {  	_ =	shalt  }
0x68: {  	_ =	shalt  }
0x69: {  	_ =	shalt  }
0x6a: {  	_ =	shalt  }
0x6b: {  	_ =	shalt  }
0x6c: {  	_ =	shalt  }
0x6d: {  	_ =	shalt  }
0x6e: {  	_ =	shalt  }
0x6f: {  	_ =	shalt  }
0x70: {  	_ =	shalt  }
0x71: {  	_ =	shalt  }
0x72: {  	_ =	shalt  }
0x73: {  	_ =	shalt  }
0x74: {  	_ =	shalt  }
0x75: {  	_ =	shalt  }
0x76: {  	_ =	shalt  }
0x77: {  	_ =	shalt  }
0x78: {  	_ =	shalt  }
0x79: {  	_ =	shalt  }
0x7a: {  	_ =	shalt  }
0x7b: {  	_ =	shalt  }
0x7c: {  	_ =	shalt  }
0x7d: {  	_ =	shalt  }
0x7e: {  	_ =	shalt  }
0x7f: {  	_ =	shalt  }
0x80: {  	_ =	shalt  }
0x81: {  	_ =	shalt  }
0x82: {  	_ =	shalt  }
0x83: {  	_ =	shalt  }
0x84: {  	_ =	shalt  }
0x85: {  	_ =	shalt  }
0x86: {  	_ =	shalt  }
0x87: {  	_ =	shalt  }
.Lfunc_end0:
.L_simem_size_0:
called_computation_lowered:
.L_overlay_start_0:
0x88: {  	s2 =	sld [smem:$0x3FD9]  }
0x89: {  	s3 =	sld [smem:$0x3FFE];
	_ =	sdelay $0x1  }
0x8a: {  	s1 =	srdreg.scid  }
0x8b: {  	s0 =	sand.u32 $0x1, s1  }
0x8c: {  	s18 =	sshll.u32 s0, $0xA;
	s2 =	sadd.s32 s3, s2  }
0x8d: {  	s2 =	sadd.s32 s2, s18  }
0x8e: {  	[smem:$0x3FC6] =	sst s2  }
0x8f: {  	_ = 	snop  }
0x90: {  	s2 =	sld [smem:$0x3FC9]  }
0x91: {  	s19 =	sld [smem:$0x3FC8]  }
0x92: {  	s4 =	sld [smem:$0x3FD0];
	(tm) =	ssettm $0x1  }
0x93: {  	s5 =	sld [smem:$0x3FFB];
	_ =	sdelay $0x3  }
0x94: {  	_ =	strace s5  }
0x95: {  	s5 =	sld [smem:$0x3FFC];
	_ =	sdelay $0x3  }
0x96: {  	_ =	strace s5  }
0x97: {  	s5 =	sld [smem:$0x3FFD];
	_ =	sdelay $0x3  }
0x98: {  	_ =	strace s5  }
0x99: {  	_ =	strace $0x8FFFFFFF  }
0x9a: {  	s20 =	sld [smem:$0x3FDB];
	_ =	sdelay $0x1  }
0x9b: {  	s6 =	simm.s32 $_scs_section_size  }
0x9c: {  	s7 =	simm.s32 $_size__tile_overlayer_lowered;
	s8 =	simm.s32 $_tile_overlayer_lowered  }
0x9d: {  	s23 =	simm.s32 $0x1BFF;
	s22 =	sshll.u32 s8, $0x1;
	s5 =	sadd.s32 s6, s20  }
0x9e: {  	s9 =	simm.s32 $0x0;
	s21 =	sshll.u32 s7, $0x1;
	s7 =	sadd.s32 s22, s5  }
0x9f: {  	[timem:s9], [sflag:s23] =	dma.local [hbm:s7], s21  }
0xa0: {  	_ =	swait.ge [sflag:s23], s21  }
0xa1: {  	s6 =	ssub.s32 $0x0, s21;
	[sflag:s23] =	ssyncset.done $0x0  }
0xa2: {  	[sflag:s23] =	ssyncadd.s32 s6;
	_ =	sdelay $0x1  }
0xa3: {  	s24 =	simm.s32 $0x1B8B  }
0xa4: {  	_ =	swait.ge [sflag:s24], $0x1  }
0xa5: {  	[sflag:s24] =	ssyncset.done $0x0  }
0xa6: {  	s25 =	simm.s32 $0x1B8E;
	[sflag:s24] =	ssyncadd.s32 $0xFFFFFFFF  }
0xa7: {  	s26 =	simm.s32 $execute0_lowered;
	[smem:$0x3FD2] =	sst s25  }
0xa8: {  	s6 =	sshll.u32 s26, $0x1;
	_ =	strace $0x80000046;
	[dreg:$0x1] =	wrdreg $0xFFFFFFFF  }
0xa9: {  	s28 =	simm.s32 $_size_execute0_lowered;
	s5 =	sadd.s32 s5, s6;
	[dreg:$0x0] =	wrdreg $0x0  }
0xaa: {  	s6 =	sshll.u32 s28, $0x1;
	[dreg:$0x2] =	wrdreg s5  }
0xab: {  	[dreg:$0x3] =	wrdreg s6  }
0xac: {  	[dreg:$0x4] =	wrdreg $0xC0  }
0xad: {  	_ =	task [dreg:s9], $0x5FFFF  }
0xae: {  	[dreg:$0x1] =	wrdreg $0xFFFFFFFF  }
0xaf: {  	[dreg:$0x0] =	wrdreg $0x60  }
0xb0: {  	[dreg:$0x2] =	wrdreg s2  }
0xb1: {  	[dreg:$0x3] =	wrdreg s19  }
0xb2: {  	[dreg:$0x4] =	wrdreg s4  }
0xb3: {  	[dreg:$0x5] =	wrdreg $0x9  }
0xb4: {  	_ =	task.clear_ibuf [dreg:s9], $0x6FFFF;
	_ =	strace $0x90000046  }
0xb5: {  	s29 =	simm.s32 $0x9;
	_ =	strace $0x80000048  }
0xb6: {  	_ =	swait.ge [sflag:s29], $0x1  }
0xb7: {  	[sflag:s29] =	ssyncadd.s32 $0xFFFFFFFF  }
0xb8: {  	_ =	strace $0x90000048  }
0xb9: {  	_ =	sfence  }
0xba: {  	s30 =	sld [smem:$0x0];
	_ =	sdelay $0x2  }
0xbb: {  	s31 =	sshll.u32 s1, $0xD;
	s1 =	sshrl.u32 s1, $0x2  }
0xbc: {  	s3 =	sand.u32 $0x4000, s31;
	s1 =	sadd.s32 s1, s30  }
0xbd: {  	s0 =	sor.u32 s3, s0;
	s1 =	sshll.u32 s1, $0x11  }
0xbe: {  	s0 =	sor.u32 s1, s0  }
0xbf: {  	s0 =	sadd.s32 $0x8F2B, s0  }
0xc0: {  	[sflag:s0] =	ssyncadd.remote.s32 $0x1  }
0xc1: {  	_ =	sfence.sel $0xFFFF  }
0xc2: {  	[dreg:$0x0] =	wrdreg $0xFFFFFFFF;
	(pc) =	sbr.abs _section_cstart, $3  }
0xc3: {  	[dreg:$0x1] =	wrdreg $0xFFFFFFFF  }
0xc4: {  	_ =	task.clear_ibuf [dreg:s9], $0x2FFFF;
	_ =	strace $0x9FFFFFFF  }
0xc5: {  	(tm) =	ssettm $0x7FFFFFFF  }
tec
execute0_lowered:
.L_overlay_start_1:
0x0: {  	(tag) =	ssettag $0x1  }
0x1: {  	s1 =	rddreg [dreg:$0x0]  }
0x2: {  	s2 =	rddreg [dreg:$0x1]  }
0x3: {  	s4 =	rddreg [dreg:$0x2]  }
0x4: {  	s0 =	rddreg [dreg:$0x3]  }
0x5: {  	s5 =	simm.s32 $0x0;
	s6 =	srdreg.scid;
	s3 =	stileid.u32  }
0x6: {  	s13 =	simm.s32 $0x4180;
	s14 =	simm.s32 $0x40;
	s15 =	simm.s32 $0x100  }
0x7: {  	s16 =	simm.s32 $0x8180;
	s17 =	simm.s32 $0x2;
	s18 =	simm.s32 $0x3  }
0x8: {  	s19 =	simm.s32 $0x0;
	[smem:$0x7FF] =	sst s5;
	s8 =	smul.u32 $0x280, s3  }
0x9: {  	s6 =	sand.u32 $0x1, s6;
	s9 =	sshll.u32 s3, $0x1;
	s12 =	smul.u32 $0x14000, s3  }
0xa: {  	s7 =	ssub.s32 $0x2, s6;
	s10 =	smul.u32 $0x140, s6;
	s9 =	sor.u32 s9, s6  }
0xb: {  	s31 =	smul.u32 $0xA000, s6;
	_ =	strace $0x80000047;
	s11 =	sshrl.u32 s7, $0x1  }
0xc: {  	s9 =	ssub.s32 $0x119, s9;
	s7 =	ssub.s32 s7, s11;
	s8 =	sadd.s32 s10, s8  }
0xd: {  	s10 =	simm.s32 $0x1;
	s11 =	simm.s32 $0x80;
	s6 =	smax.u32 s7, $0x1  }
0xe: {  	s7 =	sshrl.u32 s9, $0x5;
	s9 =	sadd.s32 s31, s12;
	s12 =	simm.s32 $0x180  }
.LBB2_1:
0xf: {  	p1 =	sne.s32 s7, $0x1  }
.Ltmp0:
0x10: {  	_ = 	snop;
	(pc) =	sbr.rel @!p1 .LBB2_2-.Ltmp0, $2  }
0x11: {  	_ =	sdelay $0x2  }
0x12: {  	s20 =	sadd.s32 $0xFFFFFFFF, s7;
	s23 =	sshrl.u32 s8, $0x3;
	p0 =	por $0x0, $0x0  }
0x13: {  	s21 =	sadd.s32 s2, s23  }
0x14: {  	[tilespmem:s5], [sflag:$0x1] =	stream.linear.gather [hbm4b:s21+s5], $0x140, $0x38;
	[tilespmem:$0xA180] =	vst v63  }
0x15: {  	_ =	swait.ge [sflag:s10], $0x140  }
0x16: {  	[sflag:s10] =	ssyncset.done $0x0  }
0x17: {  	[sflag:s10] =	ssyncadd.s32 $0xFFFFFEC0  }
0x18: {  	[tilespmem:s12], [sflag:$0x2] =	stream.indirect.gather [hbm4b:s1+s11], $0x80, s5, s11, $0xb8;
	[tilespmem:$0xA180] =	vst v63  }
0x19: {  	_ = 	snop  }
0x1a: {  	[tilespmem:s13], [sflag:$0x2] =	stream.indirect.gather [hbm4b:s1+s11], $0x80, s11, s11, $0xb8;
	[tilespmem:$0xA180] =	vst v63  }
0x1b: {  	_ = 	snop  }
0x1c: {  	[tilespmem:s16], [sflag:$0x2] =	stream.indirect.gather [hbm4b:s1+s14], $0x80, s15, s14, $0xb8;
	[tilespmem:$0xA180] =	vst v63  }
0x1d: {  	_ =	swait.ge [sflag:s17], $0x4000  }
0x1e: {  	[sflag:s17] =	ssyncset.done $0x0  }
0x1f: {  	[sflag:s17] =	ssyncadd.s32 $0xFFFFC000  }
0x20: {  	_ =	swait.ge [sflag:s17], $0x4000  }
0x21: {  	[sflag:s17] =	ssyncset.done $0x0  }
0x22: {  	[sflag:s17] =	ssyncadd.s32 $0xFFFFC000  }
0x23: {  	p1 =	sne.s32 s20, $0x1;
	_ =	swait.ge [sflag:s17], $0x2000  }
.Ltmp1:
0x24: {  	s31 =	sshrl.u32 s9, $0x3;
	[sflag:s17] =	ssyncset.done $0x0;
	(pc) =	sbr.rel @!p1 .LBB2_4-.Ltmp1, $4  }
0x25: {  	s22 =	sadd.s32 $0x2800, s8;
	s21 =	sadd.s32 s4, s31;
	[sflag:s17] =	ssyncadd.s32 $0xFFFFE000  }
0x26: {  	[hbm4b:s21+s5] =	stream.linear.scatter [tilespmem:s12], [sflag:$0x3], $0xA000, $0x38;
	[tilespmem:$0xA180] =	vst v63  }
0x27: {  	p0 =	por $0x1, $0x1;
	s23 =	sshrl.u32 s22, $0x3;
	_ =	swait.ge [sflag:s18], $0xA000  }
0x28: {  	s21 =	sadd.s32 $0xFFFFFFFF, s20;
	s20 =	smov.u32 s9;
	[sflag:s18] =	ssyncset.done $0x0  }
.LBB2_5:
0x29: {  	s23 =	sadd.s32 s2, s23;
	[sflag:s18] =	ssyncadd.s32 $0xFFFF6000;
	s20 =	sadd.s32 $0x140000, s20  }
0x2a: {  	[tilespmem:s5], [sflag:$0x1] =	stream.linear.gather [hbm4b:s23+s5], $0x140, $0x38;
	[tilespmem:$0xA180] =	vst v63  }
0x2b: {  	p1 =	sne.s32 s21, $0x1;
	s21 =	sadd.s32 $0xFFFFFFFF, s21;
	_ =	swait.ge [sflag:s10], $0x140  }
0x2c: {  	[sflag:s10] =	ssyncset.done $0x0  }
0x2d: {  	[sflag:s10] =	ssyncadd.s32 $0xFFFFFEC0  }
0x2e: {  	[tilespmem:s12], [sflag:$0x2] =	stream.indirect.gather [hbm4b:s1+s11], $0x80, s5, s11, $0xb8;
	[tilespmem:$0xA180] =	vst v63  }
0x2f: {  	_ = 	snop  }
0x30: {  	[tilespmem:s13], [sflag:$0x2] =	stream.indirect.gather [hbm4b:s1+s11], $0x80, s11, s11, $0xb8;
	[tilespmem:$0xA180] =	vst v63  }
0x31: {  	_ = 	snop  }
0x32: {  	[tilespmem:s16], [sflag:$0x2] =	stream.indirect.gather [hbm4b:s1+s14], $0x80, s15, s14, $0xb8;
	[tilespmem:$0xA180] =	vst v63  }
0x33: {  	_ =	swait.ge [sflag:s17], $0x4000  }
0x34: {  	[sflag:s17] =	ssyncset.done $0x0  }
0x35: {  	[sflag:s17] =	ssyncadd.s32 $0xFFFFC000  }
0x36: {  	_ =	swait.ge [sflag:s17], $0x4000  }
0x37: {  	[sflag:s17] =	ssyncset.done $0x0  }
0x38: {  	[sflag:s17] =	ssyncadd.s32 $0xFFFFC000  }
0x39: {  	_ =	swait.ge [sflag:s17], $0x2000  }
.Ltmp2:
0x3a: {  	s23 =	sshrl.u32 s20, $0x3;
	[sflag:s17] =	ssyncset.done $0x0;
	(pc) =	sbr.rel @p1 .LBB2_5-.Ltmp2, $4  }
0x3b: {  	s23 =	sadd.s32 s4, s23;
	[sflag:s17] =	ssyncadd.s32 $0xFFFFE000  }
0x3c: {  	[hbm4b:s23+s5] =	stream.linear.scatter [tilespmem:s12], [sflag:$0x3], $0xA000, $0x38;
	[tilespmem:$0xA180] =	vst v63  }
0x3d: {  	s22 =	sadd.s32 $0x2800, s22;
	_ =	swait.ge [sflag:s18], $0xA000  }
0x3e: {  	s23 =	sshrl.u32 s22, $0x3;
	[sflag:s18] =	ssyncset.done $0x0  }
.LBB2_6:
0x3f: {  	s21 =	sadd.s32 s2, s23;
	[sflag:s18] =	ssyncadd.s32 @p0 $0xFFFF6000  }
0x40: {  	[tilespmem:s5], [sflag:$0x1] =	stream.linear.gather [hbm4b:s21+s5], $0x140, $0x38;
	[tilespmem:$0xA180] =	vst v63  }
0x41: {  	_ =	swait.ge [sflag:s10], $0x140  }
0x42: {  	[sflag:s10] =	ssyncset.done $0x0  }
0x43: {  	[sflag:s10] =	ssyncadd.s32 $0xFFFFFEC0  }
0x44: {  	[tilespmem:s12], [sflag:$0x2] =	stream.indirect.gather [hbm4b:s1+s11], $0x80, s5, s11, $0xb8;
	[tilespmem:$0xA180] =	vst v63  }
0x45: {  	_ = 	snop  }
0x46: {  	[tilespmem:s13], [sflag:$0x2] =	stream.indirect.gather [hbm4b:s1+s11], $0x80, s11, s11, $0xb8;
	[tilespmem:$0xA180] =	vst v63  }
0x47: {  	_ = 	snop  }
0x48: {  	[tilespmem:s16], [sflag:$0x2] =	stream.indirect.gather [hbm4b:s1+s14], $0x80, s15, s14, $0xb8;
	[tilespmem:$0xA180] =	vst v63  }
0x49: {  	_ =	swait.ge [sflag:s17], $0x4000  }
0x4a: {  	[sflag:s17] =	ssyncset.done $0x0  }
0x4b: {  	[sflag:s17] =	ssyncadd.s32 $0xFFFFC000  }
0x4c: {  	_ =	swait.ge [sflag:s17], $0x4000  }
0x4d: {  	[sflag:s17] =	ssyncset.done $0x0  }
0x4e: {  	s20 =	sadd.s32 @p0 $0x140000, s20;
	s21 =	smov.u32 s9;
	[sflag:s17] =	ssyncadd.s32 $0xFFFFC000  }
0x4f: {  	s21 =	smov.u32 @p0 s20;
	_ =	swait.ge [sflag:s17], $0x2000  }
0x50: {  	s19 =	sadd.s32 $0x1, s19;
	s20 =	sshrl.u32 s21, $0x3;
	[sflag:s17] =	ssyncset.done $0x0  }
0x51: {  	p0 =	sne.s32 s19, s6;
	s20 =	sadd.s32 s4, s20;
	[sflag:s17] =	ssyncadd.s32 $0xFFFFE000  }
0x52: {  	[hbm4b:s20+s5] =	stream.linear.scatter [tilespmem:s12], [sflag:$0x3], $0xA000, $0x38;
	[tilespmem:$0xA180] =	vst v63  }
.Ltmp3:
0x53: {  	_ = 	snop;
	(pc) =	sbr.rel @p0 .LBB2_1-.Ltmp3, $4  }
.Ltmp4:
0x54: {  	_ = 	snop;
	(pc) =	sbr.rel @!p0 .LBB2_7-.Ltmp4, $4  }
0x55: {  	_ =	swait.ge [sflag:s18], $0xA000  }
0x56: {  	[sflag:s18] =	ssyncset.done $0x0  }
0x57: {  	[sflag:s18] =	ssyncadd.s32 $0xFFFF6000  }
0x58: {  	_ = 	snop  }
.LBB2_2:
.Ltmp5:
0x59: {  	(pc) =	sbr.rel .LBB2_6-.Ltmp5, $2  }
0x5a: {  	_ =	sdelay $0x2  }
0x5b: {  	s20 =	smov.u32 s9  }
.LBB2_4:
.Ltmp6:
0x5c: {  	(pc) =	sbr.rel .LBB2_6-.Ltmp6, $2  }
0x5d: {  	_ =	sdelay $0x2  }
0x5e: {  	s20 =	smov.u32 s9  }
.LBB2_7:
0x5f: {  	_ =	sfence.sel $0x180000  }
0x60: {  	[bflag:$0x0] =	sbarrier.arrive $0xFFFF  }
0x61: {  	p0 =	sne.s32 s3, $0x0;
	_ =	strace $0x90000047  }
0x62: {  	s0 =	sadd.s32 @!p0 $0x100000, s0;
	[bflag:$0x2] =	sbarrier.arrive $0xFFFF  }
0x63: {  	[sflag:s0] =	ssyncadd.tile.s32 @!p0 $0x1;
	_ =	shalt  }
.Lfunc_end2:
_tile_overlayer_lowered:
.L_overlay_start_2:
0x64: {  	(tag) =	ssettag $0x2  }
0x65: {  	s0 =	rddreg [dreg:$0x0];
	s2 =	stileid.u32  }
0x66: {  	s1 =	rddreg [dreg:$0x1];
	p0 =	sne.s32 s2, $0x0  }
0x67: {  	s3 =	rddreg [dreg:$0x2];
	[bflag:$0x3] =	sbarrier.arrive $0xFFFF;
	s2 =	simm.s32 @!p0 $0x1C03  }
0x68: {  	[timem:s3], [sflag:s2] =	dma.local @!p0 [hbm:s0], s1  }
0x69: {  	s0 =	simm.s32 @!p0 $0x3  }
0x6a: {  	_ =	swait.ge @!p0 [sflag:s0], s1  }
0x6b: {  	s1 =	ssub.s32 @!p0 $0x0, s1;
	[sflag:s0] =	ssyncset.done @!p0 $0x0  }
0x6c: {  	[sflag:s0] =	ssyncadd.s32 @!p0 s1  }
0x6d: {  	[bflag:$0x3] =	sbarrier.arrive $0xFFFF  }
0x6e: {  	_ =	shalt  }

</sc_bundles>
